<compile_context>
chip_gen: v7x
topology: tpu7x:2x2x1
jax: 0.10.2.dev20260603
libtpu: 0.0.44.dev20260713+nightly
codegen_flags: <defaults>
</compile_context>

<pallas_src>
import functools

import jax
import jax.numpy as jnp
from jax import lax
from jax.experimental import pallas as pl
from jax.experimental.pallas import tpu as pltpu
from jax.experimental.pallas import tpu_sc as plsc

_LANES = 16
_NW = 32


def _sc_gather_cur_prev(flat, pos, batch, h):
    bpw = batch // _NW
    mesh = plsc.VectorSubcoreMesh(core_axis_name="c", subcore_axis_name="s")

    @functools.partial(
        pl.kernel,
        mesh=mesh,
        out_type=(
            jax.ShapeDtypeStruct((batch, h), jnp.float32),
            jax.ShapeDtypeStruct((batch, h), jnp.float32),
        ),
        scratch_types=[
            pltpu.VMEM((bpw,), jnp.int32),
            pltpu.VMEM((bpw,), jnp.int32),
            pltpu.VMEM((bpw,), jnp.int32),
            pltpu.VMEM((bpw, h), jnp.float32),
            pltpu.VMEM((bpw, h), jnp.float32),
            pltpu.SemaphoreType.DMA,
            pltpu.SemaphoreType.DMA,
            pltpu.SemaphoreType.DMA,
            pltpu.SemaphoreType.DMA,
        ],
    )
    def gather_k(flat_hbm, pos_hbm, cur_out, prev_out,
                 pos_v, idxc_v, idxp_v, rows_c, rows_p, s0, s1, s2, s3):
        wid = lax.axis_index("s") * 2 + lax.axis_index("c")
        base = wid * bpw
        pltpu.sync_copy(pos_hbm.at[pl.ds(base, bpw)], pos_v)
        for j in range(bpw // _LANES):
            p = pos_v[pl.ds(j * _LANES, _LANES)]
            lane = lax.iota(jnp.int32, _LANES) + (base + j * _LANES)
            cur_idx = p * batch + lane
            idxc_v[pl.ds(j * _LANES, _LANES)] = cur_idx
            idxp_v[pl.ds(j * _LANES, _LANES)] = cur_idx - batch
        g_c = pltpu.async_copy(flat_hbm.at[idxc_v], rows_c, s0)
        g_p = pltpu.async_copy(flat_hbm.at[idxp_v], rows_p, s1)
        g_c.wait()
        w_c = pltpu.async_copy(rows_c, cur_out.at[pl.ds(base, bpw)], s2)
        g_p.wait()
        w_p = pltpu.async_copy(rows_p, prev_out.at[pl.ds(base, bpw)], s3)
        w_c.wait()
        w_p.wait()

    return gather_k(flat, pos)


def _tc_compose(cur, prev, x, W, b2, opdir):
    batch, h = x.shape
    bb = 512
    dn = (((1,), (1,)), ((), ()))

    def body(cur_ref, prev_ref, x_ref, w_ref, b_ref, od_ref, hid_ref, red_ref):
        cur_v = cur_ref[...]
        prev_v = prev_ref[...]
        w = w_ref[...]
        bvec = b_ref[...]
        cc_l = jnp.concatenate([cur_v, prev_v], axis=1)
        cc_r = jnp.concatenate([prev_v, cur_v], axis=1)
        left = jnp.tanh(
            lax.dot_general(cc_l, w, dn, preferred_element_type=jnp.float32) + bvec)
        right = jnp.tanh(
            lax.dot_general(cc_r, w, dn, preferred_element_type=jnp.float32) + bvec)
        opv = od_ref[:, 0:1]
        drv = od_ref[:, 1:2]
        is_left = (opv == -1) & (drv == 0)
        is_right = (opv == -1) & (drv == 1)
        zero = jnp.zeros_like(left)
        red_ref[...] = jnp.where(is_left, left, jnp.where(is_right, right, zero))
        comp = jnp.where(drv == 0, left, right)
        hid_ref[...] = jnp.where(opv == 1, x_ref[...], jnp.where(opv == 0, cur_v, comp))

    return pl.pallas_call(
        body,
        grid=(batch // bb,),
        in_specs=[
            pl.BlockSpec((bb, h), lambda i: (i, 0)),
            pl.BlockSpec((bb, h), lambda i: (i, 0)),
            pl.BlockSpec((bb, h), lambda i: (i, 0)),
            pl.BlockSpec((h, 2 * h), lambda i: (0, 0)),
            pl.BlockSpec((1, h), lambda i: (0, 0)),
            pl.BlockSpec((bb, 2), lambda i: (i, 0)),
        ],
        out_specs=[
            pl.BlockSpec((bb, h), lambda i: (i, 0)),
            pl.BlockSpec((bb, h), lambda i: (i, 0)),
        ],
        out_shape=[
            jax.ShapeDtypeStruct((batch, h), jnp.float32),
            jax.ShapeDtypeStruct((batch, h), jnp.float32),
        ],
    )(cur, prev, x, W, b2, opdir)


def kernel(hidden_stack, x, pos, op, dir_, W, b):
    seq2, batch, h = hidden_stack.shape
    flat = hidden_stack.reshape(seq2 * batch, h)
    pos32 = pos.astype(jnp.int32)
    cur, prev = _sc_gather_cur_prev(flat, pos32, batch, h)
    opdir = jnp.stack([op.astype(jnp.int32), dir_.astype(jnp.int32)], axis=1)
    hid, red = _tc_compose(cur, prev, x, W, b.reshape(1, h), opdir)
    return hid, red

# --- scband reference (transcript-rebuilt; emitter-appended) ---
"""Pipeline reference for scband-state-reducer-57990648431076 (READ-ONLY COPY).

The authoritative reference and input builder live on the scoring server;
editing this copy changes nothing except your own understanding.
"""

import jax, jax.numpy as jnp
import numpy as np

SEQ_LEN = 256
BATCH = 1024
H = 512


def setup_inputs(seed: int = 0) -> dict:
    key = jax.random.key(seed)
    ks = jax.random.split(key, 7)
    hidden_stack = jax.random.normal(ks[0], (SEQ_LEN + 2, BATCH, H), dtype=jnp.float32)
    x = jax.random.normal(ks[1], (BATCH, H), dtype=jnp.float32)
    # pos in [1, SEQ_LEN) so that pos-1 >= 0 and pos+1 <= SEQ_LEN (in-bounds, matches a built stack)
    pos = jax.random.randint(ks[2], (BATCH,), 1, SEQ_LEN).astype(jnp.int64 if jax.config.read('jax_enable_x64') else jnp.int32)
    # op in {-1, 0, 1}
    op = jax.random.randint(ks[3], (BATCH,), -1, 2)
    # dir_ in {0, 1}
    dir_ = jax.random.randint(ks[4], (BATCH,), 0, 2)
    # nn.Linear(2H, H): weight [H, 2H], bias [H]
    W = jax.random.normal(ks[5], (H, 2 * H), dtype=jnp.float32) * (1.0 / np.sqrt(2 * H))
    b = jax.random.normal(ks[6], (H,), dtype=jnp.float32) * 0.01
    return {"hidden_stack": hidden_stack, "x": x, "pos": pos, "op": op, "dir_": dir_, "W": W, "b": b}


def reference(hidden_stack, x, pos, op, dir_, W, b):
    B = x.shape[0]
    bidx = jnp.arange(B)
    # self.hidden_stack[self.pos + 1, batch_indexes, :] = input
    hs = hidden_stack.at[pos + 1, bidx, :].set(x)
    # cur/prev hidden (read AFTER the write, as in torch)
    cur = hs[pos, bidx, :]
    prev = hs[pos - 1, bidx, :]
    is_left = (op == -1) & (dir_ == 0)
    is_right = (op == -1) & (dir_ == 1)
    # reducer = Linear(2H -> H) + Tanh, computed on the full batch then masked (faithful to torch)
    left = jnp.tanh(jnp.concatenate([cur, prev], axis=1) @ W.T + b)
    right = jnp.tanh(jnp.concatenate([prev, cur], axis=1) @ W.T + b)
    zeros = jnp.zeros_like(left)
    reducing_ret = jnp.where(is_left[:, None], left, jnp.where(is_right[:, None], right, zeros))
    # masked scatter of composed vectors into hidden_stack[pos-1, b]
    reduce_mask = (is_left | is_right)[:, None]
    composed = jnp.where(is_left[:, None], left, right)
    hs = hs.at[pos - 1, bidx, :].set(jnp.where(reduce_mask, composed, prev))
    new_pos = pos + op
    hidden_ret = hs[new_pos, bidx, :]
    return (hidden_ret, reducing_ret)

if __name__ == "__main__":
    import jax
    _d = setup_inputs()
    print(jax.jit(kernel)(*tuple(_d.values())))

</pallas_src>

<mosaic_0001>
#map = affine_map<(d0, d1) -> (0, 0)>
#map1 = affine_map<(d0, d1) -> (0)>
module attributes {stable_mosaic.version = 14 : i64} {
  func.func @gather_k(%arg0: i32, %arg1: i32, %arg2: memref<264192x512xf32, #tpu.memory_space<hbm>>, %arg3: memref<1024xi32, #tpu.memory_space<hbm>>, %arg4: memref<1024x512xf32, #tpu.memory_space<hbm>>, %arg5: memref<1024x512xf32, #tpu.memory_space<hbm>>, %arg6: memref<32xi32, #tpu.memory_space<vmem>>, %arg7: memref<32xi32, #tpu.memory_space<vmem>>, %arg8: memref<32xi32, #tpu.memory_space<vmem>>, %arg9: memref<32x512xf32, #tpu.memory_space<vmem>>, %arg10: memref<32x512xf32, #tpu.memory_space<vmem>>, %arg11: memref<!tpu.dma_semaphore, #tpu.memory_space<semaphore_mem>>, %arg12: memref<!tpu.dma_semaphore, #tpu.memory_space<semaphore_mem>>, %arg13: memref<!tpu.dma_semaphore, #tpu.memory_space<semaphore_mem>>, %arg14: memref<!tpu.dma_semaphore, #tpu.memory_space<semaphore_mem>>) attributes {dimension_semantics = [#tpu.dimension_semantics<core_parallel>, #tpu.dimension_semantics<subcore_parallel>], iteration_bounds = array<i64: 2, 16>, scalar_prefetch = 0 : i64, scratch_operands = 9 : i64, tpu.core_type = #tpu.core_type<sc_vector_subcore>, window_params = [{transform_indices = #map}, {transform_indices = #map1}, {transform_indices = #map}, {transform_indices = #map}]} {
    %mul3A = arith.constant 2 : i32
    %mul3A_0 = arith.muli %arg1, %mul3A : i32
    %add3A = arith.addi %mul3A_0, %arg0 : i32
    %mul3A_1 = arith.constant 32 : i32
    %mul3A_2 = arith.muli %add3A, %mul3A_1 : i32
    "tpu.region"() ({
      %run_scoped3A = tpu.sem_alloc : memref<!tpu.dma_semaphore, #tpu.memory_space<semaphore_mem>>
      %dma_start3A_71 = tpu.memref_slice %arg3[%mul3A_2] : memref<1024xi32, #tpu.memory_space<hbm>> -> memref<32xi32, #tpu.memory_space<hbm>>
      %dma_start3A_72 = tpu.memref_slice %arg3[%mul3A_2] : memref<1024xi32, #tpu.memory_space<hbm>> -> memref<32xi32, #tpu.memory_space<hbm>>
      tpu.enqueue_dma source(%dma_start3A_72 : memref<32xi32, #tpu.memory_space<hbm>>) target(%arg6 : memref<32xi32, #tpu.memory_space<vmem>>) target_semaphore(%run_scoped3A : memref<!tpu.dma_semaphore, #tpu.memory_space<semaphore_mem>>)
      %dma_wait3A_73 = tpu.memref_slice %arg3[%mul3A_2] : memref<1024xi32, #tpu.memory_space<hbm>> -> memref<32xi32, #tpu.memory_space<hbm>>
      %dma_wait3A_74 = tpu.memref_slice %arg3[%mul3A_2] : memref<1024xi32, #tpu.memory_space<hbm>> -> memref<32xi32, #tpu.memory_space<hbm>>
      tpu.wait_dma2 semaphore(%run_scoped3A : memref<!tpu.dma_semaphore, #tpu.memory_space<semaphore_mem>>) src(%dma_wait3A_74 : memref<32xi32, #tpu.memory_space<hbm>>) dst(%arg6 : memref<32xi32, #tpu.memory_space<vmem>>)
      tpu.yield
    }) : () -> ()
    %get3A = arith.constant 0 : index
    %get3A_3 = tpu.vector_load %arg6[%get3A] {strides = array<i32>} : memref<32xi32, #tpu.memory_space<vmem>>, vector<16xi32>,
    %get3A_4 = vector.shape_cast %get3A_3 : vector<16xi32> to vector<16xi32>
    %iota3A = tpu.iota {dimensions = array<i32: 0>} : vector<16xi32>
    %add3A_5 = arith.constant 0 : i32
    %add3A_6 = arith.addi %mul3A_2, %add3A_5 : i32
    %add3A_7 = vector.broadcast %add3A_6 : i32 to vector<16xi32>
    %add3A_8 = arith.addi %iota3A, %add3A_7 : vector<16xi32>
    %mul3A_9 = arith.constant 1024 : i32
    %mul3A_10 = vector.broadcast %mul3A_9 : i32 to vector<16xi32>
    %mul3A_11 = arith.muli %get3A_4, %mul3A_10 : vector<16xi32>
    %add3A_12 = arith.addi %mul3A_11, %add3A_8 : vector<16xi32>
    %swap3A = arith.constant 0 : index
    %swap3A_13 = tpu.vector_load %arg7[%swap3A] {strides = array<i32>} : memref<32xi32, #tpu.memory_space<vmem>>, vector<16xi32>,
    %swap3A_14 = vector.shape_cast %swap3A_13 : vector<16xi32> to vector<16xi32>
    %swap3A_15 = vector.shape_cast %add3A_12 : vector<16xi32> to vector<16xi32>
    tpu.vector_store %arg7[%swap3A], %swap3A_15 {strides = array<i32>} : memref<32xi32, #tpu.memory_space<vmem>>, vector<16xi32>,
    %sub3A = arith.constant 1024 : i32
    %sub3A_16 = vector.broadcast %sub3A : i32 to vector<16xi32>
    %sub3A_17 = arith.subi %add3A_12, %sub3A_16 : vector<16xi32>
    %swap3A_18 = arith.constant 0 : index
    %swap3A_19 = tpu.vector_load %arg8[%swap3A_18] {strides = array<i32>} : memref<32xi32, #tpu.memory_space<vmem>>, vector<16xi32>,
    %swap3A_20 = vector.shape_cast %swap3A_19 : vector<16xi32> to vector<16xi32>
    %swap3A_21 = vector.shape_cast %sub3A_17 : vector<16xi32> to vector<16xi32>
    tpu.vector_store %arg8[%swap3A_18], %swap3A_21 {strides = array<i32>} : memref<32xi32, #tpu.memory_space<vmem>>, vector<16xi32>,
    %get3A_22 = arith.constant 16 : index
    %get3A_23 = tpu.vector_load %arg6[%get3A_22] {strides = array<i32>} : memref<32xi32, #tpu.memory_space<vmem>>, vector<16xi32>,
    %get3A_24 = vector.shape_cast %get3A_23 : vector<16xi32> to vector<16xi32>
    %iota3A_25 = tpu.iota {dimensions = array<i32: 0>} : vector<16xi32>
    %add3A_26 = arith.constant 16 : i32
    %add3A_27 = arith.addi %mul3A_2, %add3A_26 : i32
    %add3A_28 = vector.broadcast %add3A_27 : i32 to vector<16xi32>
    %add3A_29 = arith.addi %iota3A_25, %add3A_28 : vector<16xi32>
    %mul3A_30 = arith.constant 1024 : i32
    %mul3A_31 = vector.broadcast %mul3A_30 : i32 to vector<16xi32>
    %mul3A_32 = arith.muli %get3A_24, %mul3A_31 : vector<16xi32>
    %add3A_33 = arith.addi %mul3A_32, %add3A_29 : vector<16xi32>
    %swap3A_34 = arith.constant 16 : index
    %swap3A_35 = tpu.vector_load %arg7[%swap3A_34] {strides = array<i32>} : memref<32xi32, #tpu.memory_space<vmem>>, vector<16xi32>,
    %swap3A_36 = vector.shape_cast %swap3A_35 : vector<16xi32> to vector<16xi32>
    %swap3A_37 = vector.shape_cast %add3A_33 : vector<16xi32> to vector<16xi32>
    tpu.vector_store %arg7[%swap3A_34], %swap3A_37 {strides = array<i32>} : memref<32xi32, #tpu.memory_space<vmem>>, vector<16xi32>,
    %sub3A_38 = arith.constant 1024 : i32
    %sub3A_39 = vector.broadcast %sub3A_38 : i32 to vector<16xi32>
    %sub3A_40 = arith.subi %add3A_33, %sub3A_39 : vector<16xi32>
    %swap3A_41 = arith.constant 16 : index
    %swap3A_42 = tpu.vector_load %arg8[%swap3A_41] {strides = array<i32>} : memref<32xi32, #tpu.memory_space<vmem>>, vector<16xi32>,
    %swap3A_43 = vector.shape_cast %swap3A_42 : vector<16xi32> to vector<16xi32>
    %swap3A_44 = vector.shape_cast %sub3A_40 : vector<16xi32> to vector<16xi32>
    tpu.vector_store %arg8[%swap3A_41], %swap3A_44 {strides = array<i32>} : memref<32xi32, #tpu.memory_space<vmem>>, vector<16xi32>,
    %dma_start3A = arith.constant 0 : i32
    %dma_start3A_45 = arith.constant 0 : i32
    %dma_start3A_46 = tpu.memref_slice %arg2[%dma_start3A, %dma_start3A_45] : memref<264192x512xf32, #tpu.memory_space<hbm>> -> memref<264192x512xf32, #tpu.memory_space<hbm>>
    tpu.enqueue_indirect_dma source(%dma_start3A_46 : memref<264192x512xf32, #tpu.memory_space<hbm>>) target(%arg9 : memref<32x512xf32, #tpu.memory_space<vmem>>) offsets(%arg7 : memref<32xi32, #tpu.memory_space<vmem>>) semaphore(%arg11 : memref<!tpu.dma_semaphore, #tpu.memory_space<semaphore_mem>>)
    %dma_start3A_47 = arith.constant 0 : i32
    %dma_start3A_48 = arith.constant 0 : i32
    %dma_start3A_49 = tpu.memref_slice %arg2[%dma_start3A_47, %dma_start3A_48] : memref<264192x512xf32, #tpu.memory_space<hbm>> -> memref<264192x512xf32, #tpu.memory_space<hbm>>
    tpu.enqueue_indirect_dma source(%dma_start3A_49 : memref<264192x512xf32, #tpu.memory_space<hbm>>) target(%arg10 : memref<32x512xf32, #tpu.memory_space<vmem>>) offsets(%arg8 : memref<32xi32, #tpu.memory_space<vmem>>) semaphore(%arg12 : memref<!tpu.dma_semaphore, #tpu.memory_space<semaphore_mem>>)
    %dma_wait3A = arith.constant 0 : i32
    %dma_wait3A_50 = arith.constant 0 : i32
    %dma_wait3A_51 = tpu.memref_slice %arg2[%dma_wait3A, %dma_wait3A_50] : memref<264192x512xf32, #tpu.memory_space<hbm>> -> memref<264192x512xf32, #tpu.memory_space<hbm>>
    tpu.wait_indirect_dma semaphore(%arg11 : memref<!tpu.dma_semaphore, #tpu.memory_space<semaphore_mem>>) src(%dma_wait3A_51 : memref<264192x512xf32, #tpu.memory_space<hbm>>) dst(%arg9 : memref<32x512xf32, #tpu.memory_space<vmem>>)
    %dma_start3A_52 = arith.constant 0 : i32
    %dma_start3A_53 = tpu.memref_slice %arg4[%mul3A_2, %dma_start3A_52] : memref<1024x512xf32, #tpu.memory_space<hbm>> -> memref<32x512xf32, #tpu.memory_space<hbm>>
    %dma_start3A_54 = arith.constant 0 : i32
    %dma_start3A_55 = tpu.memref_slice %arg4[%mul3A_2, %dma_start3A_54] : memref<1024x512xf32, #tpu.memory_space<hbm>> -> memref<32x512xf32, #tpu.memory_space<hbm>>
    tpu.enqueue_dma source(%arg9 : memref<32x512xf32, #tpu.memory_space<vmem>>) target(%dma_start3A_55 : memref<32x512xf32, #tpu.memory_space<hbm>>) target_semaphore(%arg13 : memref<!tpu.dma_semaphore, #tpu.memory_space<semaphore_mem>>)
    %dma_wait3A_56 = arith.constant 0 : i32
    %dma_wait3A_57 = arith.constant 0 : i32
    %dma_wait3A_58 = tpu.memref_slice %arg2[%dma_wait3A_56, %dma_wait3A_57] : memref<264192x512xf32, #tpu.memory_space<hbm>> -> memref<264192x512xf32, #tpu.memory_space<hbm>>
    tpu.wait_indirect_dma semaphore(%arg12 : memref<!tpu.dma_semaphore, #tpu.memory_space<semaphore_mem>>) src(%dma_wait3A_58 : memref<264192x512xf32, #tpu.memory_space<hbm>>) dst(%arg10 : memref<32x512xf32, #tpu.memory_space<vmem>>)
    %dma_start3A_59 = arith.constant 0 : i32
    %dma_start3A_60 = tpu.memref_slice %arg5[%mul3A_2, %dma_start3A_59] : memref<1024x512xf32, #tpu.memory_space<hbm>> -> memref<32x512xf32, #tpu.memory_space<hbm>>
    %dma_start3A_61 = arith.constant 0 : i32
    %dma_start3A_62 = tpu.memref_slice %arg5[%mul3A_2, %dma_start3A_61] : memref<1024x512xf32, #tpu.memory_space<hbm>> -> memref<32x512xf32, #tpu.memory_space<hbm>>
    tpu.enqueue_dma source(%arg10 : memref<32x512xf32, #tpu.memory_space<vmem>>) target(%dma_start3A_62 : memref<32x512xf32, #tpu.memory_space<hbm>>) target_semaphore(%arg14 : memref<!tpu.dma_semaphore, #tpu.memory_space<semaphore_mem>>)
    %dma_wait3A_63 = arith.constant 0 : i32
    %dma_wait3A_64 = tpu.memref_slice %arg4[%mul3A_2, %dma_wait3A_63] : memref<1024x512xf32, #tpu.memory_space<hbm>> -> memref<32x512xf32, #tpu.memory_space<hbm>>
    %dma_wait3A_65 = arith.constant 0 : i32
    %dma_wait3A_66 = tpu.memref_slice %arg4[%mul3A_2, %dma_wait3A_65] : memref<1024x512xf32, #tpu.memory_space<hbm>> -> memref<32x512xf32, #tpu.memory_space<hbm>>
    tpu.wait_dma2 semaphore(%arg13 : memref<!tpu.dma_semaphore, #tpu.memory_space<semaphore_mem>>) src(%arg9 : memref<32x512xf32, #tpu.memory_space<vmem>>) dst(%dma_wait3A_66 : memref<32x512xf32, #tpu.memory_space<hbm>>)
    %dma_wait3A_67 = arith.constant 0 : i32
    %dma_wait3A_68 = tpu.memref_slice %arg5[%mul3A_2, %dma_wait3A_67] : memref<1024x512xf32, #tpu.memory_space<hbm>> -> memref<32x512xf32, #tpu.memory_space<hbm>>
    %dma_wait3A_69 = arith.constant 0 : i32
    %dma_wait3A_70 = tpu.memref_slice %arg5[%mul3A_2, %dma_wait3A_69] : memref<1024x512xf32, #tpu.memory_space<hbm>> -> memref<32x512xf32, #tpu.memory_space<hbm>>
    tpu.wait_dma2 semaphore(%arg14 : memref<!tpu.dma_semaphore, #tpu.memory_space<semaphore_mem>>) src(%arg10 : memref<32x512xf32, #tpu.memory_space<vmem>>) dst(%dma_wait3A_70 : memref<32x512xf32, #tpu.memory_space<hbm>>)
    return
  }
}

module attributes {stable_mosaic.version = 14 : i64} {
  func.func @body(%arg0: i32, %arg1: memref<512x512xf32, #tpu.memory_space<vmem>>, %arg2: memref<512x512xf32, #tpu.memory_space<vmem>>, %arg3: memref<512x512xf32, #tpu.memory_space<vmem>>, %arg4: memref<512x1024xf32, #tpu.memory_space<vmem>>, %arg5: memref<1x512xf32, #tpu.memory_space<vmem>>, %arg6: memref<512x2xi32, #tpu.memory_space<vmem>>, %arg7: memref<512x512xf32, #tpu.memory_space<vmem>>, %arg8: memref<512x512xf32, #tpu.memory_space<vmem>>) attributes {dimension_semantics = [#tpu.dimension_semantics<arbitrary>], iteration_bounds = array<i64: 2>, scalar_prefetch = 0 : i64, scratch_operands = 0 : i64, tpu.core_type = #tpu.core_type<tc>, window_params = [{transform_indices = @transform_0, window_bounds = array<i64: 512, 512>}, {transform_indices = @transform_1, window_bounds = array<i64: 512, 512>}, {transform_indices = @transform_2, window_bounds = array<i64: 512, 512>}, {pipeline_mode = #tpu.pipeline_mode<synchronous>, transform_indices = @transform_3, window_bounds = array<i64: 512, 1024>}, {pipeline_mode = #tpu.pipeline_mode<synchronous>, transform_indices = @transform_4, window_bounds = array<i64: 1, 512>}, {transform_indices = @transform_5, window_bounds = array<i64: 512, 2>}, {transform_indices = @transform_6, window_bounds = array<i64: 512, 512>}, {transform_indices = @transform_7, window_bounds = array<i64: 512, 512>}]} {
    %get3A = arith.constant 0 : index
    %get3A_0 = arith.constant 0 : index
    %get3A_1 = vector.load %arg1[%get3A, %get3A_0] : memref<512x512xf32, #tpu.memory_space<vmem>>, vector<512x512xf32>
    %get3A_2 = arith.constant 0 : index
    %get3A_3 = arith.constant 0 : index
    %get3A_4 = vector.load %arg2[%get3A_2, %get3A_3] : memref<512x512xf32, #tpu.memory_space<vmem>>, vector<512x512xf32>
    %get3A_5 = arith.constant 0 : index
    %get3A_6 = arith.constant 0 : index
    %get3A_7 = vector.load %arg4[%get3A_5, %get3A_6] : memref<512x1024xf32, #tpu.memory_space<vmem>>, vector<512x1024xf32>
    %get3A_8 = arith.constant 0 : index
    %get3A_9 = arith.constant 0 : index
    %get3A_10 = vector.load %arg5[%get3A_8, %get3A_9] : memref<1x512xf32, #tpu.memory_space<vmem>>, vector<1x512xf32>
    %concatenate3A = tpu.concatenate %get3A_1, %get3A_4 in 1 : vector<512x512xf32>, vector<512x512xf32> -> vector<512x1024xf32>
    %concatenate3A_11 = tpu.concatenate %get3A_4, %get3A_1 in 1 : vector<512x512xf32>, vector<512x512xf32> -> vector<512x1024xf32>
    %dot_general3A = arith.constant dense<0.000000e+00> : vector<512x512xf32>
    %dot_general3A_12 = tpu.matmul %concatenate3A, %get3A_7, %dot_general3A {dimension_numbers = #tpu.dot_dimension_numbers<[1], [1], [0], [0], [0, 0, 1, 0], [], []>, transpose_lhs_hint = false} : vector<512x1024xf32>, vector<512x1024xf32>, vector<512x512xf32> -> vector<512x512xf32>
    %add3A = vector.broadcast %get3A_10 : vector<1x512xf32> to vector<512x512xf32>
    %add3A_13 = arith.addf %dot_general3A_12, %add3A : vector<512x512xf32>
    %tanh3A = math.tanh %add3A_13 : vector<512x512xf32>
    %dot_general3A_14 = arith.constant dense<0.000000e+00> : vector<512x512xf32>
    %dot_general3A_15 = tpu.matmul %concatenate3A_11, %get3A_7, %dot_general3A_14 {dimension_numbers = #tpu.dot_dimension_numbers<[1], [1], [0], [0], [0, 0, 1, 0], [], []>, transpose_lhs_hint = false} : vector<512x1024xf32>, vector<512x1024xf32>, vector<512x512xf32> -> vector<512x512xf32>
    %add3A_16 = vector.broadcast %get3A_10 : vector<1x512xf32> to vector<512x512xf32>
    %add3A_17 = arith.addf %dot_general3A_15, %add3A_16 : vector<512x512xf32>
    %tanh3A_18 = math.tanh %add3A_17 : vector<512x512xf32>
    %get3A_19 = arith.constant 0 : index
    %get3A_20 = arith.constant 0 : index
    %get3A_21 = vector.load %arg6[%get3A_19, %get3A_20] : memref<512x2xi32, #tpu.memory_space<vmem>>, vector<512x1xi32>
    %get3A_22 = arith.constant 0 : index
    %get3A_23 = arith.constant 1 : index
    %get3A_24 = vector.load %arg6[%get3A_22, %get3A_23] : memref<512x2xi32, #tpu.memory_space<vmem>>, vector<512x1xi32>
    %eq3A = arith.constant -1 : i32
    %eq3A_25 = vector.broadcast %eq3A : i32 to vector<512x1xi32>
    %eq3A_26 = arith.cmpi eq, %get3A_21, %eq3A_25 : vector<512x1xi32>
    %eq3A_27 = arith.constant 0 : i32
    %eq3A_28 = vector.broadcast %eq3A_27 : i32 to vector<512x1xi32>
    %eq3A_29 = arith.cmpi eq, %get3A_24, %eq3A_28 : vector<512x1xi32>
    %and3A = arith.andi %eq3A_26, %eq3A_29 : vector<512x1xi1>
    %eq3A_30 = arith.constant -1 : i32
    %eq3A_31 = vector.broadcast %eq3A_30 : i32 to vector<512x1xi32>
    %eq3A_32 = arith.cmpi eq, %get3A_21, %eq3A_31 : vector<512x1xi32>
    %eq3A_33 = arith.constant 1 : i32
    %eq3A_34 = vector.broadcast %eq3A_33 : i32 to vector<512x1xi32>
    %eq3A_35 = arith.cmpi eq, %get3A_24, %eq3A_34 : vector<512x1xi32>
    %and3A_36 = arith.andi %eq3A_32, %eq3A_35 : vector<512x1xi1>
    %broadcast_in_dim3A = arith.constant 0.000000e+00 : f32
    %broadcast_in_dim3A_37 = vector.broadcast %broadcast_in_dim3A : f32 to vector<512x512xf32>
    %broadcast_in_dim3A_38 = vector.shape_cast %and3A_36 : vector<512x1xi1> to vector<512x1xi1>
    %broadcast_in_dim3A_39 = vector.broadcast %broadcast_in_dim3A_38 : vector<512x1xi1> to vector<512x512xi1>
    %select_n3A = arith.select %broadcast_in_dim3A_39, %tanh3A_18, %broadcast_in_dim3A_37 : vector<512x512xi1>, vector<512x512xf32>
    %broadcast_in_dim3A_40 = vector.shape_cast %and3A : vector<512x1xi1> to vector<512x1xi1>
    %broadcast_in_dim3A_41 = vector.broadcast %broadcast_in_dim3A_40 : vector<512x1xi1> to vector<512x512xi1>
    %select_n3A_42 = arith.select %broadcast_in_dim3A_41, %tanh3A, %select_n3A : vector<512x512xi1>, vector<512x512xf32>
    %swap3A = arith.constant 0 : index
    %swap3A_43 = arith.constant 0 : index
    %swap3A_44 = vector.load %arg8[%swap3A, %swap3A_43] : memref<512x512xf32, #tpu.memory_space<vmem>>, vector<512x512xf32>
    tpu.vector_store %arg8[%swap3A, %swap3A_43], %select_n3A_42 {strides = array<i32>} : memref<512x512xf32, #tpu.memory_space<vmem>>, vector<512x512xf32>,
    %eq3A_45 = arith.constant 0 : i32
    %eq3A_46 = vector.broadcast %eq3A_45 : i32 to vector<512x1xi32>
    %eq3A_47 = arith.cmpi eq, %get3A_24, %eq3A_46 : vector<512x1xi32>
    %broadcast_in_dim3A_48 = vector.shape_cast %eq3A_47 : vector<512x1xi1> to vector<512x1xi1>
    %broadcast_in_dim3A_49 = vector.broadcast %broadcast_in_dim3A_48 : vector<512x1xi1> to vector<512x512xi1>
    %select_n3A_50 = arith.select %broadcast_in_dim3A_49, %tanh3A, %tanh3A_18 : vector<512x512xi1>, vector<512x512xf32>
    %eq3A_51 = arith.constant 1 : i32
    %eq3A_52 = vector.broadcast %eq3A_51 : i32 to vector<512x1xi32>
    %eq3A_53 = arith.cmpi eq, %get3A_21, %eq3A_52 : vector<512x1xi32>
    %get3A_54 = arith.constant 0 : index
    %get3A_55 = arith.constant 0 : index
    %get3A_56 = vector.load %arg3[%get3A_54, %get3A_55] : memref<512x512xf32, #tpu.memory_space<vmem>>, vector<512x512xf32>
    %eq3A_57 = arith.constant 0 : i32
    %eq3A_58 = vector.broadcast %eq3A_57 : i32 to vector<512x1xi32>
    %eq3A_59 = arith.cmpi eq, %get3A_21, %eq3A_58 : vector<512x1xi32>
    %broadcast_in_dim3A_60 = vector.shape_cast %eq3A_59 : vector<512x1xi1> to vector<512x1xi1>
    %broadcast_in_dim3A_61 = vector.broadcast %broadcast_in_dim3A_60 : vector<512x1xi1> to vector<512x512xi1>
    %select_n3A_62 = arith.select %broadcast_in_dim3A_61, %get3A_1, %select_n3A_50 : vector<512x512xi1>, vector<512x512xf32>
    %broadcast_in_dim3A_63 = vector.shape_cast %eq3A_53 : vector<512x1xi1> to vector<512x1xi1>
    %broadcast_in_dim3A_64 = vector.broadcast %broadcast_in_dim3A_63 : vector<512x1xi1> to vector<512x512xi1>
    %select_n3A_65 = arith.select %broadcast_in_dim3A_64, %get3A_56, %select_n3A_62 : vector<512x512xi1>, vector<512x512xf32>
    %swap3A_66 = arith.constant 0 : index
    %swap3A_67 = arith.constant 0 : index
    %swap3A_68 = vector.load %arg7[%swap3A_66, %swap3A_67] : memref<512x512xf32, #tpu.memory_space<vmem>>, vector<512x512xf32>
    tpu.vector_store %arg7[%swap3A_66, %swap3A_67], %select_n3A_65 {strides = array<i32>} : memref<512x512xf32, #tpu.memory_space<vmem>>, vector<512x512xf32>,
    return
  }
  func.func @transform_0(%arg0: i32) -> (i32, i32) {
    %c0_i32 = arith.constant 0 : i32
    %c0_i32_0 = arith.constant 0 : i32
    return %arg0, %c0_i32 : i32, i32
  }
  func.func @transform_1(%arg0: i32) -> (i32, i32) {
    %c0_i32 = arith.constant 0 : i32
    %c0_i32_0 = arith.constant 0 : i32
    return %arg0, %c0_i32 : i32, i32
  }
  func.func @transform_2(%arg0: i32) -> (i32, i32) {
    %c0_i32 = arith.constant 0 : i32
    %c0_i32_0 = arith.constant 0 : i32
    return %arg0, %c0_i32 : i32, i32
  }
  func.func @transform_3(%arg0: i32) -> (i32, i32) {
    %c0_i32 = arith.constant 0 : i32
    %c0_i32_0 = arith.constant 0 : i32
    %c0_i32_1 = arith.constant 0 : i32
    return %c0_i32, %c0_i32_0 : i32, i32
  }
  func.func @transform_4(%arg0: i32) -> (i32, i32) {
    %c0_i32 = arith.constant 0 : i32
    %c0_i32_0 = arith.constant 0 : i32
    %c0_i32_1 = arith.constant 0 : i32
    return %c0_i32, %c0_i32_0 : i32, i32
  }
  func.func @transform_5(%arg0: i32) -> (i32, i32) {
    %c0_i32 = arith.constant 0 : i32
    %c0_i32_0 = arith.constant 0 : i32
    return %arg0, %c0_i32 : i32, i32
  }
  func.func @transform_6(%arg0: i32) -> (i32, i32) {
    %c0_i32 = arith.constant 0 : i32
    %c0_i32_0 = arith.constant 0 : i32
    return %arg0, %c0_i32 : i32, i32
  }
  func.func @transform_7(%arg0: i32) -> (i32, i32) {
    %c0_i32 = arith.constant 0 : i32
    %c0_i32_0 = arith.constant 0 : i32
    return %arg0, %c0_i32 : i32, i32
  }
}

</mosaic_0001>

<sc_bundles>
// kernel: kernel.4.cloned.1.call-start
scs
__scs_entry_jumppad:
0x0: {  	(pc) =	sbr.rel $0x88, $3  }
0x1: {  	(tag) =	ssettag $0x0;
	lr =	simm.s32 $0x1  }
0x2: {  	[smem:$0x3F9A] =	sst lr;
	_ =	strace $0xD0000000  }
0x3: {  	_ = 	snop  }
0x4: {  	_ = 	snop  }
0x5: {  	_ = 	snop  }
0x6: {  	_ = 	snop  }
0x7: {  	_ = 	snop  }
__scs_overlays_trampoline_lowered:
0x8: {  	[smem:$0x3FA9] =	sst s0  }
0x9: {  	[smem:$0x3FAA] =	sst s1  }
0xa: {  	[smem:$0x3FAB] =	sst s2  }
0xb: {  	[smem:$0x3FAC] =	sst s3  }
0xc: {  	[smem:$0x3FAD] =	sst s4  }
0xd: {  	[smem:$0x3FAE] =	sst s5  }
0xe: {  	[smem:$0x3FAF] =	sst s6  }
0xf: {  	[smem:$0x3FB0] =	sst s7  }
0x10: {  	[smem:$0x3FB1] =	sst s8  }
0x11: {  	[smem:$0x3FB2] =	sst s9;
	s0 =	simm.s32 @!p0 $0x0  }
0x12: {  	s1 =	sld [smem:$0x3F98];
	s0 =	simm.s32 @p0 $0x1  }
0x13: {  	[smem:$0x3FB3] =	sst s0;
	s0 =	simm.s32 @!p1 $0x0  }
0x14: {  	s2 =	sld [smem:$0x3F97];
	s0 =	simm.s32 @p1 $0x1  }
0x15: {  	[smem:$0x3FB4] =	sst s0;
	s0 =	simm.s32 @!p2 $0x0  }
0x16: {  	s3 =	sld [smem:$0x3FDB];
	s0 =	simm.s32 @p2 $0x1  }
0x17: {  	s4 =	simm.s32 $0x1BF5;
	[smem:$0x3FB6] =	sst s0  }
0x18: {  	s0 =	sld [smem:$0x3F99];
	_ =	swait.ge [sflag:s4], $0x0  }
0x19: {  	s7 =	sld [smem:$0x3F9A]  }
0x1a: {  	s8 =	sadd.s32 $0xFFFFE003, lr  }
0x1b: {  	s9 =	sadd.s32 $0xFFFFFEF7, lr;
	s5 =	simm.s32 $0xFFFFFFFF;
	p2 =	slt.u32 s8, $0xFFFFF086  }
0x1c: {  	p1 =	slt.u32 s9, $0xF7A;
	s5 =	simm.s32 @!p2 $0x0  }
0x1d: {  	s5 =	simm.s32 @p1 $0x1;
	p0 =	seq.s32 s7, s2  }
0x1e: {  	s7 =	smul.u32 @!p0 $0xF7A, s2;
	p2 =	seq.s32 @!p0 s5, $0x0  }
0x1f: {  	s9 =	smul.u32 $0xF7A, s1;
	s8 =	simm.s32 @!p0 $0x1BF5;
	p2 =	por !p2, p0  }
0x20: {  	[sflag:s8] =	ssyncset.s32 @!p0 $0xFFFFF086;
	s6 =	sadd.s32 @!p0 s3, s7;
	s7 =	simm.s32 @!p0 $0x108  }
0x21: {  	s3 =	sadd.s32 s3, s9;
	s6 =	sadd.s32 @!p0 $0x88, s6;
	s7 =	simm.s32 @p2 $0x1082  }
0x22: {  	[simem:s7], [sflag:s8] =	dma.local @!p0 [hbm:s6], $0xF7A  }
0x23: {  	s9 =	sor.u32 $0xD0000000, s2;
	s6 =	simm.s32 $0x108;
	_ =	swait.ge @!p0 [sflag:s8], $0x0  }
0x24: {  	s3 =	sadd.s32 $0x88, s3;
	s6 =	simm.s32 @!p1 $0x1082;
	[sflag:s4] =	ssyncset.s32 $0xFFFFF086  }
0x25: {  	[simem:s6], [sflag:s4] =	dma.local [hbm:s3], $0xF7A  }
0x26: {  	[smem:$0x3F9A] =	sst s1;
	(tag) =	ssettag s2;
	_ =	strace s9  }
0x27: {  	s1 =	sld [smem:$0x3FAA]  }
0x28: {  	s2 =	sld [smem:$0x3FAB]  }
0x29: {  	s4 =	sld [smem:$0x3FAD]  }
0x2a: {  	p0 =	seq.s32 s5, $0x0;
	s5 =	sld [smem:$0x3FAE]  }
0x2b: {  	s6 =	sld [smem:$0x3FAF]  }
0x2c: {  	s7 =	sld [smem:$0x3FB0]  }
0x2d: {  	s3 =	simm.s32 $0x108;
	s8 =	sld [smem:$0x3FB1]  }
0x2e: {  	s3 =	simm.s32 @!p0 $0x1082;
	s9 =	sld [smem:$0x3FB2]  }
0x2f: {  	lr =	sadd.s32 s0, s3;
	s0 =	sld [smem:$0x3FA9]  }
0x30: {  	s3 =	sld [smem:$0x3FAC]  }
0x31: {  	[smem:$0x3FB5] =	sst s10  }
0x32: {  	s10 =	sld [smem:$0x3FB3];
	_ =	sdelay $0x3  }
0x33: {  	p0 =	seq.s32 s10, $0x1;
	s10 =	sld [smem:$0x3FB5];
	_ =	sdelay $0x3  }
0x34: {  	[smem:$0x3FB5] =	sst s10  }
0x35: {  	s10 =	sld [smem:$0x3FB4];
	_ =	sdelay $0x3  }
0x36: {  	p1 =	seq.s32 s10, $0x1;
	s10 =	sld [smem:$0x3FB5];
	_ =	sdelay $0x3  }
0x37: {  	[smem:$0x3FB5] =	sst s10  }
0x38: {  	s10 =	sld [smem:$0x3FB6]  }
0x39: {  	_ = 	snop;
	(pc) =	sbr.ind lr, $3  }
0x3a: {  	_ = 	snop  }
0x3b: {  	_ = 	snop  }
0x3c: {  	p2 =	seq.s32 s10, $0x1;
	s10 =	sld [smem:$0x3FB5]  }
0x3d: {  	_ =	shalt  }
0x3e: {  	_ =	shalt  }
0x3f: {  	_ =	shalt  }
0x40: {  	_ =	shalt  }
0x41: {  	_ =	shalt  }
0x42: {  	_ =	shalt  }
0x43: {  	_ =	shalt  }
0x44: {  	_ =	shalt  }
0x45: {  	_ =	shalt  }
0x46: {  	_ =	shalt  }
0x47: {  	_ =	shalt  }
0x48: {  	_ =	shalt  }
0x49: {  	_ =	shalt  }
0x4a: {  	_ =	shalt  }
0x4b: {  	_ =	shalt  }
0x4c: {  	_ =	shalt  }
0x4d: {  	_ =	shalt  }
0x4e: {  	_ =	shalt  }
0x4f: {  	_ =	shalt  }
0x50: {  	_ =	shalt  }
0x51: {  	_ =	shalt  }
0x52: {  	_ =	shalt  }
0x53: {  	_ =	shalt  }
0x54: {  	_ =	shalt  }
0x55: {  	_ =	shalt  }
0x56: {  	_ =	shalt  }
0x57: {  	_ =	shalt  }
0x58: {  	_ =	shalt  }
0x59: {  	_ =	shalt  }
0x5a: {  	_ =	shalt  }
0x5b: {  	_ =	shalt  }
0x5c: {  	_ =	shalt  }
0x5d: {  	_ =	shalt  }
0x5e: {  	_ =	shalt  }
0x5f: {  	_ =	shalt  }
0x60: {  	_ =	shalt  }
0x61: {  	_ =	shalt  }
0x62: {  	_ =	shalt  }
0x63: {  	_ =	shalt  }
0x64: {  	_ =	shalt  }
0x65: {  	_ =	shalt  }
0x66: {  	_ =	shalt  }
0x67: {  	_ =	shalt  }
0x68: {  	_ =	shalt  }
0x69: {  	_ =	shalt  }
0x6a: {  	_ =	shalt  }
0x6b: {  	_ =	shalt  }
0x6c: {  	_ =	shalt  }
0x6d: {  	_ =	shalt  }
0x6e: {  	_ =	shalt  }
0x6f: {  	_ =	shalt  }
0x70: {  	_ =	shalt  }
0x71: {  	_ =	shalt  }
0x72: {  	_ =	shalt  }
0x73: {  	_ =	shalt  }
0x74: {  	_ =	shalt  }
0x75: {  	_ =	shalt  }
0x76: {  	_ =	shalt  }
0x77: {  	_ =	shalt  }
0x78: {  	_ =	shalt  }
0x79: {  	_ =	shalt  }
0x7a: {  	_ =	shalt  }
0x7b: {  	_ =	shalt  }
0x7c: {  	_ =	shalt  }
0x7d: {  	_ =	shalt  }
0x7e: {  	_ =	shalt  }
0x7f: {  	_ =	shalt  }
0x80: {  	_ =	shalt  }
0x81: {  	_ =	shalt  }
0x82: {  	_ =	shalt  }
0x83: {  	_ =	shalt  }
0x84: {  	_ =	shalt  }
0x85: {  	_ =	shalt  }
0x86: {  	_ =	shalt  }
0x87: {  	_ =	shalt  }
.Lfunc_end0:
.L_simem_size_0:
called_computation_lowered:
.L_overlay_start_0:
0x88: {  	s2 =	sld [smem:$0x3FD9]  }
0x89: {  	s3 =	sld [smem:$0x3FFE];
	_ =	sdelay $0x1  }
0x8a: {  	s1 =	srdreg.scid  }
0x8b: {  	s0 =	sand.u32 $0x1, s1  }
0x8c: {  	s15 =	sshll.u32 s0, $0xA;
	s2 =	sadd.s32 s3, s2  }
0x8d: {  	s2 =	sadd.s32 s2, s15  }
0x8e: {  	[smem:$0x3FC1] =	sst s2  }
0x8f: {  	_ = 	snop  }
0x90: {  	s2 =	sld [smem:$0x3FD0];
	_ =	sdelay $0x1  }
0x91: {  	s16 =	sld [smem:$0x3FC9]  }
0x92: {  	s5 =	simm.s32 $0xA;
	s6 =	simm.s32 $0x10;
	s4 =	sld [smem:$0x3FC7]  }
0x93: {  	[smem:s6], [sflag:s5] =	dma.local [hbm:s2], $0x1  }
0x94: {  	_ =	swait.eq [sflag:s5], $0x1  }
0x95: {  	[sflag:s5] =	ssyncset.done $0x0  }
0x96: {  	s17 =	sld [smem:$0x10];
	[sflag:s5] =	ssyncadd.s32 $0xFFFFFFFF  }
0x97: {  	s18 =	sld [smem:$0x11];
	(tm) =	ssettm $0x1  }
0x98: {  	s19 =	sld [smem:$0x3FFB];
	_ =	sdelay $0x3  }
0x99: {  	_ =	strace s19  }
0x9a: {  	s6 =	sld [smem:$0x3FFC];
	_ =	sdelay $0x3  }
0x9b: {  	_ =	strace s6  }
0x9c: {  	s6 =	sld [smem:$0x3FFD];
	_ =	sdelay $0x3  }
0x9d: {  	_ =	strace s6  }
0x9e: {  	_ =	strace $0x8FFFFFFF  }
0x9f: {  	s20 =	sld [smem:$0x3FDB];
	_ =	sdelay $0x1  }
0xa0: {  	s7 =	simm.s32 $_scs_section_size  }
0xa1: {  	s8 =	simm.s32 $_size__tile_overlayer_lowered;
	s9 =	simm.s32 $_tile_overlayer_lowered  }
0xa2: {  	s23 =	simm.s32 $0x1BFF;
	s22 =	sshll.u32 s9, $0x1;
	s6 =	sadd.s32 s7, s20  }
0xa3: {  	s10 =	simm.s32 $0x0;
	s21 =	sshll.u32 s8, $0x1;
	s8 =	sadd.s32 s22, s6  }
0xa4: {  	[timem:s10], [sflag:s23] =	dma.local [hbm:s8], s21  }
0xa5: {  	_ =	swait.ge [sflag:s23], s21  }
0xa6: {  	s7 =	ssub.s32 $0x0, s21;
	[sflag:s23] =	ssyncset.done $0x0  }
0xa7: {  	[sflag:s23] =	ssyncadd.s32 s7;
	_ =	sdelay $0x1  }
0xa8: {  	s24 =	simm.s32 $0x1B8B  }
0xa9: {  	_ =	swait.ge [sflag:s24], $0x1  }
0xaa: {  	[sflag:s24] =	ssyncset.done $0x0  }
0xab: {  	s25 =	simm.s32 $0x1B8E;
	[sflag:s24] =	ssyncadd.s32 $0xFFFFFFFF  }
0xac: {  	s26 =	simm.s32 $execute0_lowered;
	[smem:$0x3FD2] =	sst s25  }
0xad: {  	s7 =	sshll.u32 s26, $0x1;
	_ =	strace $0x80000046;
	[dreg:$0x1] =	wrdreg $0xFFFFFFFF  }
0xae: {  	s28 =	simm.s32 $_size_execute0_lowered;
	s6 =	sadd.s32 s6, s7;
	[dreg:$0x0] =	wrdreg $0x0  }
0xaf: {  	s7 =	sshll.u32 s28, $0x1;
	[dreg:$0x2] =	wrdreg s6  }
0xb0: {  	[dreg:$0x3] =	wrdreg s7  }
0xb1: {  	[dreg:$0x4] =	wrdreg $0xC0  }
0xb2: {  	_ =	task [dreg:s10], $0x5FFFF  }
0xb3: {  	[dreg:$0x1] =	wrdreg $0xFFFFFFFF  }
0xb4: {  	[dreg:$0x0] =	wrdreg $0x60  }
0xb5: {  	[dreg:$0x2] =	wrdreg s16  }
0xb6: {  	[dreg:$0x3] =	wrdreg s4  }
0xb7: {  	[dreg:$0x4] =	wrdreg s18  }
0xb8: {  	[dreg:$0x5] =	wrdreg s17  }
0xb9: {  	[dreg:$0x6] =	wrdreg $0x9  }
0xba: {  	_ =	task.clear_ibuf [dreg:s10], $0x7FFFF;
	_ =	strace $0x90000046  }
0xbb: {  	s29 =	simm.s32 $0x9;
	_ =	strace $0x80000048  }
0xbc: {  	_ =	swait.ge [sflag:s29], $0x1  }
0xbd: {  	[sflag:s29] =	ssyncadd.s32 $0xFFFFFFFF  }
0xbe: {  	_ =	strace $0x90000048  }
0xbf: {  	_ =	sfence  }
0xc0: {  	s30 =	sld [smem:$0x0];
	_ =	sdelay $0x2  }
0xc1: {  	s31 =	sshll.u32 s1, $0xD;
	s1 =	sshrl.u32 s1, $0x2  }
0xc2: {  	s3 =	sand.u32 $0x4000, s31;
	s1 =	sadd.s32 s1, s30  }
0xc3: {  	s0 =	sor.u32 s3, s0;
	s1 =	sshll.u32 s1, $0x11  }
0xc4: {  	s0 =	sor.u32 s1, s0  }
0xc5: {  	s0 =	sadd.s32 $0x8F2B, s0  }
0xc6: {  	[sflag:s0] =	ssyncadd.remote.s32 $0x1  }
0xc7: {  	_ =	sfence.sel $0xFFFF  }
0xc8: {  	[dreg:$0x0] =	wrdreg $0xFFFFFFFF;
	(pc) =	sbr.abs _section_cstart, $3  }
0xc9: {  	[dreg:$0x1] =	wrdreg $0xFFFFFFFF  }
0xca: {  	_ =	task.clear_ibuf [dreg:s10], $0x2FFFF;
	_ =	strace $0x9FFFFFFF  }
0xcb: {  	(tm) =	ssettm $0x7FFFFFFF  }
tec
execute0_lowered:
.L_overlay_start_1:
0x0: {  	(tag) =	ssettag $0x1  }
0x1: {  	s0 =	rddreg [dreg:$0x0]  }
0x2: {  	s4 =	rddreg [dreg:$0x1]  }
0x3: {  	s6 =	rddreg [dreg:$0x2];
	s1 =	srdreg.scid  }
0x4: {  	s7 =	rddreg [dreg:$0x3];
	s2 =	stileid.u32;
	s3 =	simm.s32 $0x0  }
0x5: {  	s10 =	simm.s32 $0x180;
	s11 =	simm.s32 $0x980;
	s12 =	simm.s32 $0x1180  }
0x6: {  	s13 =	simm.s32 $0x1980;
	s14 =	simm.s32 $0x2180;
	s15 =	simm.s32 $0x2980  }
0x7: {  	s16 =	simm.s32 $0x3180;
	s17 =	simm.s32 $0x3980;
	s18 =	simm.s32 $0x4180  }
0x8: {  	s19 =	simm.s32 $0x4980;
	s20 =	simm.s32 $0x5180;
	s22 =	simm.s32 $0x6180  }
0x9: {  	s23 =	simm.s32 $0x6980;
	s25 =	simm.s32 $0x7980;
	s28 =	simm.s32 $0x2  }
0xa: {  	s29 =	simm.s32 $0x3;
	s30 =	simm.s32 $0x4;
	s5 =	sand.u32 $0x1, s1  }
0xb: {  	s1 =	rddreg [dreg:$0x4];
	s8 =	sshll.u32 s2, $0x6;
	s9 =	sshll.u32 s5, $0x5  }
0xc: {  	[smem:$0x7FF] =	sst s3;
	s5 =	ssub.s32 $0x2, s5;
	s21 =	sor.u32 s9, s8  }
0xd: {  	v6 =	vlaneseq.u32;
	_ =	strace $0x80000047;
	s26 =	sshrl.u32 s5, $0x1;
	s9 =	sshrl.u32 s21, $0x3  }
0xe: {  	v3 =	vor.u32 $0xFFFFFC00, v6;
	s8 =	ssub.s32 s5, s26;
	s24 =	sor.u32 $0x10, s21;
	s5 =	sadd.s32 $0x100, s0  }
0xf: {  	v5 =	vshrl.u32 v6, $0x3;
	s31 =	sshll.u32 s21, $0x6;
	v0 =	vor.u32 s21, v6;
	v1 =	vor.u32 s21, v3;
	s21 =	simm.s32 $0x5980;
	s26 =	simm.s32 $0x1  }
0x10: {  	vm0 =	vmmov $0xffff;
	v4 =	vand.u32 $0x7, v6;
	v5 =	vmul.u32 $0x8, v5;
	s4 =	sadd.s32 s4, s9;
	s6 =	sadd.s32 s6, s31;
	s7 =	sadd.s32 s7, s31  }
0x11: {  	s8 =	smax.u32 s8, $0x1;
	s9 =	simm.s32 $0x5;
	v2 =	vor.u32 s24, v6;
	v3 =	vor.u32 s24, v3;
	s24 =	simm.s32 $0x7180;
	v6 =	vor.u32 $0x8, v6  }
.LBB2_1:
0x12: {  	[tilespmem:s3], [sflag:$0x5] =	stream.linear.gather [hbm4b:s4+s3], $0x20, $0x38;
	[tilespmem:$0x8180] =	vst v63  }
0x13: {  	_ =	swait.ge [sflag:s9], $0x20  }
0x14: {  	[sflag:s9] =	ssyncset.done $0x0  }
0x15: {  	[sflag:s9] =	ssyncadd.s32 $0xFFFFFFE0  }
0x16: {  	v7 =	vld [tilespmem:$0x0];
	_ =	sdelay $0x4  }
0x17: {  	v7 =	vshll.u32 v7, $0xA  }
0x18: {  	v8 =	vor.u32 v0, v7  }
0x19: {  	[tilespmem:$0x80] =	vst v8  }
0x1a: {  	v8 =	vld [tilespmem:$0x80];
	_ =	sdelay $0x4  }
0x1b: {  	v9 =	vshll.u32 v8, $0x2  }
0x1c: {  	v10 =	vld [tilespmem:$0x10];
	v8 =	vand.u32 $0x7, v8;
	v9 =	vand.u32 $0xFFFFFFE0, v9  }
0x1d: {  	v8 =	vor.u32 v8, v9  }
0x1e: {  	v9 =	vperm.xlane v8, v4;
	_ =	sdelay $0x1  }
0x1f: {  	v9 =	vadd.s32 v5, v9  }
0x20: {  	v10 =	vshll.u32 v10, $0xA;
	v7 =	vadd.s32 v1, v7  }
0x21: {  	[tilespmem:$0x100] =	vst v7;
	v7 =	vor.u32 v2, v10;
	v8 =	vperm.xlane v8, v6  }
0x22: {  	[tilespmem:$0x90] =	vst v7;
	v7 =	vadd.s32 v3, v10  }
0x23: {  	[tilespmem:$0x110] =	vst v7;
	v7 =	vadd.s32 v5, v8  }
0x24: {  	[tilespmem:s10], [sflag:$0x1] =	stream.indirect_vreg.gather [hbm4b:s0+s3], $0x80, v9, vm0, $0xb8;
	[tilespmem:$0x8180] =	vst v63  }
0x25: {  	_ = 	snop  }
0x26: {  	[tilespmem:s11], [sflag:$0x1] =	stream.indirect_vreg.gather [hbm4b:s5+s3], $0x80, v9, vm0, $0xb8;
	[tilespmem:$0x8180] =	vst v63  }
0x27: {  	_ = 	snop  }
0x28: {  	[tilespmem:s12], [sflag:$0x1] =	stream.indirect_vreg.gather [hbm4b:s0+s3], $0x80, v7, vm0, $0xb8;
	[tilespmem:$0x8180] =	vst v63  }
0x29: {  	_ = 	snop  }
0x2a: {  	[tilespmem:s13], [sflag:$0x1] =	stream.indirect_vreg.gather [hbm4b:s5+s3], $0x80, v7, vm0, $0xb8;
	[tilespmem:$0x8180] =	vst v63  }
0x2b: {  	v7 =	vld [tilespmem:$0x90];
	_ =	sdelay $0x4  }
0x2c: {  	v8 =	vshll.u32 v7, $0x2  }
0x2d: {  	v7 =	vand.u32 $0x7, v7;
	v8 =	vand.u32 $0xFFFFFFE0, v8  }
0x2e: {  	v7 =	vor.u32 v7, v8  }
0x2f: {  	v8 =	vperm.xlane v7, v4;
	_ =	sdelay $0x1  }
0x30: {  	v8 =	vadd.s32 v5, v8;
	_ =	sdelay $0x1  }
0x31: {  	v7 =	vperm.xlane v7, v6;
	_ =	sdelay $0x1  }
0x32: {  	v7 =	vadd.s32 v5, v7  }
0x33: {  	[tilespmem:s14], [sflag:$0x1] =	stream.indirect_vreg.gather [hbm4b:s0+s3], $0x80, v8, vm0, $0xb8;
	[tilespmem:$0x8180] =	vst v63  }
0x34: {  	_ = 	snop  }
0x35: {  	[tilespmem:s15], [sflag:$0x1] =	stream.indirect_vreg.gather [hbm4b:s5+s3], $0x80, v8, vm0, $0xb8;
	[tilespmem:$0x8180] =	vst v63  }
0x36: {  	_ = 	snop  }
0x37: {  	[tilespmem:s16], [sflag:$0x1] =	stream.indirect_vreg.gather [hbm4b:s0+s3], $0x80, v7, vm0, $0xb8;
	[tilespmem:$0x8180] =	vst v63  }
0x38: {  	_ = 	snop  }
0x39: {  	[tilespmem:s17], [sflag:$0x1] =	stream.indirect_vreg.gather [hbm4b:s5+s3], $0x80, v7, vm0, $0xb8;
	[tilespmem:$0x8180] =	vst v63  }
0x3a: {  	v7 =	vld [tilespmem:$0x100];
	_ =	sdelay $0x4  }
0x3b: {  	v8 =	vshll.u32 v7, $0x2  }
0x3c: {  	v7 =	vand.u32 $0x7, v7;
	v8 =	vand.u32 $0xFFFFFFE0, v8  }
0x3d: {  	v7 =	vor.u32 v7, v8  }
0x3e: {  	v8 =	vperm.xlane v7, v4;
	_ =	sdelay $0x1  }
0x3f: {  	v8 =	vadd.s32 v5, v8;
	_ =	sdelay $0x1  }
0x40: {  	v7 =	vperm.xlane v7, v6;
	_ =	sdelay $0x1  }
0x41: {  	v7 =	vadd.s32 v5, v7  }
0x42: {  	[tilespmem:s18], [sflag:$0x2] =	stream.indirect_vreg.gather [hbm4b:s0+s3], $0x80, v8, vm0, $0xb8;
	[tilespmem:$0x8180] =	vst v63  }
0x43: {  	_ = 	snop  }
0x44: {  	[tilespmem:s19], [sflag:$0x2] =	stream.indirect_vreg.gather [hbm4b:s5+s3], $0x80, v8, vm0, $0xb8;
	[tilespmem:$0x8180] =	vst v63  }
0x45: {  	_ = 	snop  }
0x46: {  	[tilespmem:s20], [sflag:$0x2] =	stream.indirect_vreg.gather [hbm4b:s0+s3], $0x80, v7, vm0, $0xb8;
	[tilespmem:$0x8180] =	vst v63  }
0x47: {  	_ = 	snop  }
0x48: {  	[tilespmem:s21], [sflag:$0x2] =	stream.indirect_vreg.gather [hbm4b:s5+s3], $0x80, v7, vm0, $0xb8;
	[tilespmem:$0x8180] =	vst v63  }
0x49: {  	v7 =	vld [tilespmem:$0x110];
	_ =	sdelay $0x4  }
0x4a: {  	v8 =	vshll.u32 v7, $0x2  }
0x4b: {  	v7 =	vand.u32 $0x7, v7;
	v8 =	vand.u32 $0xFFFFFFE0, v8  }
0x4c: {  	v7 =	vor.u32 v7, v8  }
0x4d: {  	v8 =	vperm.xlane v7, v4;
	_ =	sdelay $0x1  }
0x4e: {  	v8 =	vadd.s32 v5, v8;
	_ =	sdelay $0x1  }
0x4f: {  	v7 =	vperm.xlane v7, v6;
	_ =	sdelay $0x1  }
0x50: {  	v7 =	vadd.s32 v5, v7  }
0x51: {  	[tilespmem:s22], [sflag:$0x2] =	stream.indirect_vreg.gather [hbm4b:s0+s3], $0x80, v8, vm0, $0xb8;
	[tilespmem:$0x8180] =	vst v63  }
0x52: {  	_ = 	snop  }
0x53: {  	[tilespmem:s23], [sflag:$0x2] =	stream.indirect_vreg.gather [hbm4b:s5+s3], $0x80, v8, vm0, $0xb8;
	[tilespmem:$0x8180] =	vst v63  }
0x54: {  	_ = 	snop  }
0x55: {  	[tilespmem:s24], [sflag:$0x2] =	stream.indirect_vreg.gather [hbm4b:s0+s3], $0x80, v7, vm0, $0xb8;
	[tilespmem:$0x8180] =	vst v63  }
0x56: {  	_ = 	snop  }
0x57: {  	[tilespmem:s25], [sflag:$0x2] =	stream.indirect_vreg.gather [hbm4b:s5+s3], $0x80, v7, vm0, $0xb8;
	[tilespmem:$0x8180] =	vst v63  }
0x58: {  	_ =	swait.ge [sflag:s26], $0x4000  }
0x59: {  	[sflag:s26] =	ssyncset.done $0x0  }
0x5a: {  	[sflag:s26] =	ssyncadd.s32 $0xFFFFC000  }
0x5b: {  	[hbm4b:s6+s3] =	stream.linear.scatter [tilespmem:s10], [sflag:$0x3], $0x4000, $0x38;
	[tilespmem:$0x8180] =	vst v63  }
0x5c: {  	_ =	swait.ge [sflag:s28], $0x4000  }
0x5d: {  	[sflag:s28] =	ssyncset.done $0x0  }
0x5e: {  	[sflag:s28] =	ssyncadd.s32 $0xFFFFC000  }
0x5f: {  	[hbm4b:s7+s3] =	stream.linear.scatter [tilespmem:s18], [sflag:$0x4], $0x4000, $0x38;
	[tilespmem:$0x8180] =	vst v63  }
0x60: {  	p0 =	sne.s32 s8, $0x1;
	_ =	swait.ge [sflag:s29], $0x4000  }
.Ltmp0:
0x61: {  	[sflag:s29] =	ssyncset.done $0x0;
	(pc) =	sbr.rel @p0 .LBB2_1-.Ltmp0, $4  }
0x62: {  	[sflag:s29] =	ssyncadd.s32 $0xFFFFC000  }
0x63: {  	_ =	swait.ge [sflag:s30], $0x4000  }
0x64: {  	[sflag:s30] =	ssyncset.done $0x0  }
0x65: {  	s8 =	sadd.s32 $0xFFFFFFFF, s8;
	[sflag:s30] =	ssyncadd.s32 $0xFFFFC000  }
0x66: {  	_ =	sfence.sel $0x180000  }
0x67: {  	[bflag:$0x0] =	sbarrier.arrive $0xFFFF  }
0x68: {  	p0 =	sne.s32 s2, $0x0;
	_ =	strace $0x90000047  }
0x69: {  	s0 =	sadd.s32 @!p0 $0x100000, s1;
	[bflag:$0x2] =	sbarrier.arrive $0xFFFF  }
0x6a: {  	[sflag:s0] =	ssyncadd.tile.s32 @!p0 $0x1;
	_ =	shalt  }
.Lfunc_end2:
_tile_overlayer_lowered:
.L_overlay_start_2:
0x6b: {  	(tag) =	ssettag $0x2  }
0x6c: {  	s0 =	rddreg [dreg:$0x0];
	s2 =	stileid.u32  }
0x6d: {  	s1 =	rddreg [dreg:$0x1];
	p0 =	sne.s32 s2, $0x0  }
0x6e: {  	s3 =	rddreg [dreg:$0x2];
	[bflag:$0x3] =	sbarrier.arrive $0xFFFF;
	s2 =	simm.s32 @!p0 $0x1C05  }
0x6f: {  	[timem:s3], [sflag:s2] =	dma.local @!p0 [hbm:s0], s1  }
0x70: {  	s0 =	simm.s32 @!p0 $0x5  }
0x71: {  	_ =	swait.ge @!p0 [sflag:s0], s1  }
0x72: {  	s1 =	ssub.s32 @!p0 $0x0, s1;
	[sflag:s0] =	ssyncset.done @!p0 $0x0  }
0x73: {  	[sflag:s0] =	ssyncadd.s32 @!p0 s1  }
0x74: {  	[bflag:$0x3] =	sbarrier.arrive $0xFFFF  }
0x75: {  	_ =	shalt  }

</sc_bundles>
